<compile_context>
chip_gen: v7x
topology: tpu7x:2x2x1
jax: 0.10.2.dev20260603
libtpu: 0.0.44.dev20260713+nightly
codegen_flags: <defaults>
</compile_context>

<pallas_src>
import math

import numpy as np
import jax
import jax.numpy as jnp
from jax import lax
from jax.experimental import pallas as pl
from jax.experimental.pallas import tpu as pltpu
from jax.experimental.pallas import tpu_sc as plsc

LANES = 16
D_MODEL = 512

_POS_ROW = np.sin(np.arange(D_MODEL, dtype=np.float64) * (math.pi / 180.0)).astype(
    np.float32
)


def _sc_body(xt_hbm, pos_hbm, table_hbm, out_hbm, idx_v, row1_v, rows_v, pos_v, sems):
    wid = lax.axis_index("s") + lax.axis_index("c")

    @pl.when(wid == 0)
    def _():
        tail_cp = pltpu.async_copy(xt_hbm, idx_v, sems.at[0])
        pos_cp = pltpu.async_copy(pos_hbm, pos_v, sems.at[1])
        row1_cp = pltpu.async_copy(table_hbm.at[pl.ds(1, 1)], row1_v, sems.at[2])
        tail_cp.wait()
        gather_cp = pltpu.async_copy(table_hbm.at[idx_v], rows_v, sems.at[3])
        pos_cp.wait()
        row1_cp.wait()

        def _add_row1(c, carry):
            sl = pl.ds(LANES * c, LANES)
            row1_v[0, sl] += pos_v[sl]
            return carry

        lax.fori_loop(0, D_MODEL // LANES, _add_row1, 0)
        gather_cp.wait()

        def _add_rowx(c, carry):
            sl = pl.ds(LANES * c, LANES)
            rows_v[LANES - 1, sl] += pos_v[sl]
            return carry

        lax.fori_loop(0, D_MODEL // LANES, _add_rowx, 0)
        out0_cp = pltpu.async_copy(row1_v, out_hbm.at[pl.ds(0, 1)], sems.at[2])
        pltpu.sync_copy(rows_v.at[pl.ds(LANES - 1, 1)], out_hbm.at[pl.ds(1, 1)])
        out0_cp.wait()


def kernel(x, embed_table):
    mesh = plsc.VectorSubcoreMesh(
        core_axis_name="c", subcore_axis_name="s", num_cores=1, num_subcores=1
    )
    return pl.kernel(
        _sc_body,
        out_type=jax.ShapeDtypeStruct((2, D_MODEL), jnp.float32),
        mesh=mesh,
        scratch_types=[
            pltpu.VMEM((LANES,), jnp.int32),
            pltpu.VMEM((1, D_MODEL), jnp.float32),
            pltpu.VMEM((LANES, D_MODEL), jnp.float32),
            pltpu.VMEM((D_MODEL,), jnp.float32),
            pltpu.SemaphoreType.DMA((4,)),
        ],
    )(x[x.shape[0] - LANES :], jnp.asarray(_POS_ROW), embed_table)

# --- scband reference (transcript-rebuilt; emitter-appended) ---
"""Pipeline reference for scband-embed-or-decode-74071005987157 (READ-ONLY COPY).

The authoritative reference and input builder live on the scoring server;
editing this copy changes nothing except your own understanding.
"""

import jax, jax.numpy as jnp
import numpy as np

D_MODEL = 512
VOCAB = 30522
SEQ_LEN = 8192


def pos_encode(L, d):
    # Faithful translation of EmbedOrDecode.posEncode
    i = jnp.arange(L, dtype=jnp.float32)[:, None]          # [L, 1]
    pos = jnp.arange(d, dtype=jnp.float32)[None, :]        # [1, d]
    exponent = 2.0 * i / d                                  # [L, 1]
    xr = jnp.radians(pos / jnp.power(10000.0, exponent))    # [L, d]
    y = jnp.sin(xr)
    y1 = jnp.cos(xr)
    return jnp.concatenate([y, y1], axis=0)                 # [2L, d]


def setup_inputs(seed: int = 0) -> dict:
    key = jax.random.key(seed)
    k1, k2 = jax.random.split(key)
    x = jax.random.randint(k1, (SEQ_LEN,), 0, VOCAB, dtype=jnp.int32)
    embed_table = jax.random.normal(k2, (VOCAB, D_MODEL), dtype=jnp.float32)
    return {"x": x, "embed_table": embed_table}


def reference(x, embed_table):
    # Faithful translation of EmbedOrDecode.encode:
    # the python loop repeatedly overwrites x with embedTable([1, j]);
    # only the final iteration (j = x[-1]) survives, producing a [2, D] tensor,
    # which is then offset by pos[0] (row 0 of the positional encoding).
    L = x.shape[0]
    pos = pos_encode(L, embed_table.shape[1])               # [2L, D]
    idx = jnp.stack([jnp.asarray(1, dtype=x.dtype), x[-1]])  # [2]
    emb = jnp.take(embed_table, idx, axis=0)                # [2, D] gather
    out = emb + pos[0]
    return out

if __name__ == "__main__":
    import jax
    _d = setup_inputs()
    print(jax.jit(kernel)(*tuple(_d.values())))

</pallas_src>

<mosaic_0001>
#map = affine_map<(d0, d1) -> (0)>
#map1 = affine_map<(d0, d1) -> (0, 0)>
module attributes {stable_mosaic.version = 14 : i64} {
  func.func @_sc_body(%arg0: i32, %arg1: i32, %arg2: memref<16xi32, #tpu.memory_space<hbm>>, %arg3: memref<512xf32, #tpu.memory_space<hbm>>, %arg4: memref<30522x512xf32, #tpu.memory_space<hbm>>, %arg5: memref<2x512xf32, #tpu.memory_space<hbm>>, %arg6: memref<16xi32, #tpu.memory_space<vmem>>, %arg7: memref<1x512xf32, #tpu.memory_space<vmem>>, %arg8: memref<16x512xf32, #tpu.memory_space<vmem>>, %arg9: memref<512xf32, #tpu.memory_space<vmem>>, %arg10: memref<4x!tpu.dma_semaphore, #tpu.memory_space<semaphore_mem>>) attributes {dimension_semantics = [#tpu.dimension_semantics<core_parallel>, #tpu.dimension_semantics<subcore_parallel>], iteration_bounds = array<i64: 1, 1>, scalar_prefetch = 0 : i64, scratch_operands = 5 : i64, tpu.core_type = #tpu.core_type<sc_vector_subcore>, window_params = [{transform_indices = #map}, {transform_indices = #map}, {transform_indices = #map1}, {transform_indices = #map1}]} {
    %add3A = arith.addi %arg1, %arg0 : i32
    %eq3A = arith.constant 0 : i32
    %eq3A_0 = arith.cmpi eq, %add3A, %eq3A : i32
    %convert_element_type3A = arith.extui %eq3A_0 : i1 to i32
    %cond3A = arith.constant 0 : i32
    %cond3A_1 = arith.cmpi ne, %convert_element_type3A, %cond3A : i32
    scf.if %cond3A_1 {
      %dma_start3A = arith.constant 0 : i32
      %dma_start3A_2 = tpu.memref_slice %arg10[%dma_start3A] : memref<4x!tpu.dma_semaphore, #tpu.memory_space<semaphore_mem>> -> memref<1x!tpu.dma_semaphore, #tpu.memory_space<semaphore_mem>>
      %dma_start3A_3 = tpu.memref_squeeze %dma_start3A_2 : memref<1x!tpu.dma_semaphore, #tpu.memory_space<semaphore_mem>> -> memref<!tpu.dma_semaphore, #tpu.memory_space<semaphore_mem>>
      tpu.enqueue_dma source(%arg2 : memref<16xi32, #tpu.memory_space<hbm>>) target(%arg6 : memref<16xi32, #tpu.memory_space<vmem>>) target_semaphore(%dma_start3A_3 : memref<!tpu.dma_semaphore, #tpu.memory_space<semaphore_mem>>)
      %dma_start3A_4 = arith.constant 1 : i32
      %dma_start3A_5 = tpu.memref_slice %arg10[%dma_start3A_4] : memref<4x!tpu.dma_semaphore, #tpu.memory_space<semaphore_mem>> -> memref<1x!tpu.dma_semaphore, #tpu.memory_space<semaphore_mem>>
      %dma_start3A_6 = tpu.memref_squeeze %dma_start3A_5 : memref<1x!tpu.dma_semaphore, #tpu.memory_space<semaphore_mem>> -> memref<!tpu.dma_semaphore, #tpu.memory_space<semaphore_mem>>
      tpu.enqueue_dma source(%arg3 : memref<512xf32, #tpu.memory_space<hbm>>) target(%arg9 : memref<512xf32, #tpu.memory_space<vmem>>) target_semaphore(%dma_start3A_6 : memref<!tpu.dma_semaphore, #tpu.memory_space<semaphore_mem>>)
      %dma_start3A_7 = arith.constant 2 : i32
      %dma_start3A_8 = arith.constant 1 : i32
      %dma_start3A_9 = arith.constant 0 : i32
      %dma_start3A_10 = tpu.memref_slice %arg4[%dma_start3A_8, %dma_start3A_9] : memref<30522x512xf32, #tpu.memory_space<hbm>> -> memref<1x512xf32, #tpu.memory_space<hbm>>
      %dma_start3A_11 = tpu.memref_slice %arg10[%dma_start3A_7] : memref<4x!tpu.dma_semaphore, #tpu.memory_space<semaphore_mem>> -> memref<1x!tpu.dma_semaphore, #tpu.memory_space<semaphore_mem>>
      %dma_start3A_12 = tpu.memref_squeeze %dma_start3A_11 : memref<1x!tpu.dma_semaphore, #tpu.memory_space<semaphore_mem>> -> memref<!tpu.dma_semaphore, #tpu.memory_space<semaphore_mem>>
      %dma_start3A_13 = arith.constant 1 : i32
      %dma_start3A_14 = arith.constant 0 : i32
      %dma_start3A_15 = tpu.memref_slice %arg4[%dma_start3A_13, %dma_start3A_14] : memref<30522x512xf32, #tpu.memory_space<hbm>> -> memref<1x512xf32, #tpu.memory_space<hbm>>
      tpu.enqueue_dma source(%dma_start3A_15 : memref<1x512xf32, #tpu.memory_space<hbm>>) target(%arg7 : memref<1x512xf32, #tpu.memory_space<vmem>>) target_semaphore(%dma_start3A_12 : memref<!tpu.dma_semaphore, #tpu.memory_space<semaphore_mem>>)
      %dma_wait3A = arith.constant 0 : i32
      %dma_wait3A_16 = tpu.memref_slice %arg10[%dma_wait3A] : memref<4x!tpu.dma_semaphore, #tpu.memory_space<semaphore_mem>> -> memref<1x!tpu.dma_semaphore, #tpu.memory_space<semaphore_mem>>
      %dma_wait3A_17 = tpu.memref_squeeze %dma_wait3A_16 : memref<1x!tpu.dma_semaphore, #tpu.memory_space<semaphore_mem>> -> memref<!tpu.dma_semaphore, #tpu.memory_space<semaphore_mem>>
      tpu.wait_dma2 semaphore(%dma_wait3A_17 : memref<!tpu.dma_semaphore, #tpu.memory_space<semaphore_mem>>) src(%arg2 : memref<16xi32, #tpu.memory_space<hbm>>) dst(%arg6 : memref<16xi32, #tpu.memory_space<vmem>>)
      %dma_start3A_18 = arith.constant 3 : i32
      %dma_start3A_19 = arith.constant 0 : i32
      %dma_start3A_20 = arith.constant 0 : i32
      %dma_start3A_21 = tpu.memref_slice %arg4[%dma_start3A_19, %dma_start3A_20] : memref<30522x512xf32, #tpu.memory_space<hbm>> -> memref<30522x512xf32, #tpu.memory_space<hbm>>
      %dma_start3A_22 = tpu.memref_slice %arg10[%dma_start3A_18] : memref<4x!tpu.dma_semaphore, #tpu.memory_space<semaphore_mem>> -> memref<1x!tpu.dma_semaphore, #tpu.memory_space<semaphore_mem>>
      %dma_start3A_23 = tpu.memref_squeeze %dma_start3A_22 : memref<1x!tpu.dma_semaphore, #tpu.memory_space<semaphore_mem>> -> memref<!tpu.dma_semaphore, #tpu.memory_space<semaphore_mem>>
      tpu.enqueue_indirect_dma source(%dma_start3A_21 : memref<30522x512xf32, #tpu.memory_space<hbm>>) target(%arg8 : memref<16x512xf32, #tpu.memory_space<vmem>>) offsets(%arg6 : memref<16xi32, #tpu.memory_space<vmem>>) semaphore(%dma_start3A_23 : memref<!tpu.dma_semaphore, #tpu.memory_space<semaphore_mem>>)
      %dma_wait3A_24 = arith.constant 1 : i32
      %dma_wait3A_25 = tpu.memref_slice %arg10[%dma_wait3A_24] : memref<4x!tpu.dma_semaphore, #tpu.memory_space<semaphore_mem>> -> memref<1x!tpu.dma_semaphore, #tpu.memory_space<semaphore_mem>>
      %dma_wait3A_26 = tpu.memref_squeeze %dma_wait3A_25 : memref<1x!tpu.dma_semaphore, #tpu.memory_space<semaphore_mem>> -> memref<!tpu.dma_semaphore, #tpu.memory_space<semaphore_mem>>
      tpu.wait_dma2 semaphore(%dma_wait3A_26 : memref<!tpu.dma_semaphore, #tpu.memory_space<semaphore_mem>>) src(%arg3 : memref<512xf32, #tpu.memory_space<hbm>>) dst(%arg9 : memref<512xf32, #tpu.memory_space<vmem>>)
      %dma_wait3A_27 = arith.constant 2 : i32
      %dma_wait3A_28 = arith.constant 1 : i32
      %dma_wait3A_29 = arith.constant 0 : i32
      %dma_wait3A_30 = tpu.memref_slice %arg4[%dma_wait3A_28, %dma_wait3A_29] : memref<30522x512xf32, #tpu.memory_space<hbm>> -> memref<1x512xf32, #tpu.memory_space<hbm>>
      %dma_wait3A_31 = tpu.memref_slice %arg10[%dma_wait3A_27] : memref<4x!tpu.dma_semaphore, #tpu.memory_space<semaphore_mem>> -> memref<1x!tpu.dma_semaphore, #tpu.memory_space<semaphore_mem>>
      %dma_wait3A_32 = tpu.memref_squeeze %dma_wait3A_31 : memref<1x!tpu.dma_semaphore, #tpu.memory_space<semaphore_mem>> -> memref<!tpu.dma_semaphore, #tpu.memory_space<semaphore_mem>>
      %dma_wait3A_33 = arith.constant 1 : i32
      %dma_wait3A_34 = arith.constant 0 : i32
      %dma_wait3A_35 = tpu.memref_slice %arg4[%dma_wait3A_33, %dma_wait3A_34] : memref<30522x512xf32, #tpu.memory_space<hbm>> -> memref<1x512xf32, #tpu.memory_space<hbm>>
      tpu.wait_dma2 semaphore(%dma_wait3A_32 : memref<!tpu.dma_semaphore, #tpu.memory_space<semaphore_mem>>) src(%dma_wait3A_35 : memref<1x512xf32, #tpu.memory_space<hbm>>) dst(%arg7 : memref<1x512xf32, #tpu.memory_space<vmem>>)
      %scan3A = arith.constant 0 : i32
      %scan3A_36 = arith.constant 0 : i32
      %scan3A_37 = arith.constant 32 : i32
      %scan3A_38 = arith.addi %scan3A_36, %scan3A_37 : i32
      %scan3A_39 = arith.constant 1 : i32
      scf.for %scan3A_71 = %scan3A_36 to %scan3A_38 step %scan3A_39  : i32 {
        %mul3A = arith.constant 16 : i32
        %mul3A_72 = arith.muli %mul3A, %scan3A_71 : i32
        %get3A = arith.constant 0 : i32
        %get3A_73 = arith.index_cast %get3A : i32 to index
        %get3A_74 = arith.index_cast %mul3A_72 : i32 to index
        %get3A_75 = tpu.vector_load %arg7[%get3A_73, %get3A_74] {strides = array<i32>} : memref<1x512xf32, #tpu.memory_space<vmem>>, vector<1x16xf32>,
        %get3A_76 = vector.shape_cast %get3A_75 : vector<1x16xf32> to vector<16xf32>
        %get3A_77 = arith.index_cast %mul3A_72 : i32 to index
        %get3A_78 = tpu.vector_load %arg9[%get3A_77] {strides = array<i32>} : memref<512xf32, #tpu.memory_space<vmem>>, vector<16xf32>,
        %get3A_79 = vector.shape_cast %get3A_78 : vector<16xf32> to vector<16xf32>
        %add3A_80 = arith.addf %get3A_76, %get3A_79 : vector<16xf32>
        %swap3A = arith.constant 0 : i32
        %swap3A_81 = arith.index_cast %swap3A : i32 to index
        %swap3A_82 = arith.index_cast %mul3A_72 : i32 to index
        %swap3A_83 = tpu.vector_load %arg7[%swap3A_81, %swap3A_82] {strides = array<i32>} : memref<1x512xf32, #tpu.memory_space<vmem>>, vector<1x16xf32>,
        %swap3A_84 = vector.shape_cast %swap3A_83 : vector<1x16xf32> to vector<16xf32>
        %swap3A_85 = vector.shape_cast %add3A_80 : vector<16xf32> to vector<1x16xf32>
        tpu.vector_store %arg7[%swap3A_81, %swap3A_82], %swap3A_85 {strides = array<i32>} : memref<1x512xf32, #tpu.memory_space<vmem>>, vector<1x16xf32>,
      }
      %scan3A_40 = arith.constant 32 : i32
      %dma_wait3A_41 = arith.constant 3 : i32
      %dma_wait3A_42 = arith.constant 0 : i32
      %dma_wait3A_43 = arith.constant 0 : i32
      %dma_wait3A_44 = tpu.memref_slice %arg4[%dma_wait3A_42, %dma_wait3A_43] : memref<30522x512xf32, #tpu.memory_space<hbm>> -> memref<30522x512xf32, #tpu.memory_space<hbm>>
      %dma_wait3A_45 = tpu.memref_slice %arg10[%dma_wait3A_41] : memref<4x!tpu.dma_semaphore, #tpu.memory_space<semaphore_mem>> -> memref<1x!tpu.dma_semaphore, #tpu.memory_space<semaphore_mem>>
      %dma_wait3A_46 = tpu.memref_squeeze %dma_wait3A_45 : memref<1x!tpu.dma_semaphore, #tpu.memory_space<semaphore_mem>> -> memref<!tpu.dma_semaphore, #tpu.memory_space<semaphore_mem>>
      tpu.wait_indirect_dma semaphore(%dma_wait3A_46 : memref<!tpu.dma_semaphore, #tpu.memory_space<semaphore_mem>>) src(%dma_wait3A_44 : memref<30522x512xf32, #tpu.memory_space<hbm>>) dst(%arg8 : memref<16x512xf32, #tpu.memory_space<vmem>>)
      %scan3A_47 = arith.constant 0 : i32
      %scan3A_48 = arith.constant 0 : i32
      %scan3A_49 = arith.constant 32 : i32
      %scan3A_50 = arith.addi %scan3A_48, %scan3A_49 : i32
      %scan3A_51 = arith.constant 1 : i32
      scf.for %scan3A_71 = %scan3A_48 to %scan3A_50 step %scan3A_51  : i32 {
        %mul3A = arith.constant 16 : i32
        %mul3A_72 = arith.muli %mul3A, %scan3A_71 : i32
        %get3A = arith.constant 15 : i32
        %get3A_73 = arith.index_cast %get3A : i32 to index
        %get3A_74 = arith.index_cast %mul3A_72 : i32 to index
        %get3A_75 = tpu.vector_load %arg8[%get3A_73, %get3A_74] {strides = array<i32>} : memref<16x512xf32, #tpu.memory_space<vmem>>, vector<1x16xf32>,
        %get3A_76 = vector.shape_cast %get3A_75 : vector<1x16xf32> to vector<16xf32>
        %get3A_77 = arith.index_cast %mul3A_72 : i32 to index
        %get3A_78 = tpu.vector_load %arg9[%get3A_77] {strides = array<i32>} : memref<512xf32, #tpu.memory_space<vmem>>, vector<16xf32>,
        %get3A_79 = vector.shape_cast %get3A_78 : vector<16xf32> to vector<16xf32>
        %add3A_80 = arith.addf %get3A_76, %get3A_79 : vector<16xf32>
        %swap3A = arith.constant 15 : i32
        %swap3A_81 = arith.index_cast %swap3A : i32 to index
        %swap3A_82 = arith.index_cast %mul3A_72 : i32 to index
        %swap3A_83 = tpu.vector_load %arg8[%swap3A_81, %swap3A_82] {strides = array<i32>} : memref<16x512xf32, #tpu.memory_space<vmem>>, vector<1x16xf32>,
        %swap3A_84 = vector.shape_cast %swap3A_83 : vector<1x16xf32> to vector<16xf32>
        %swap3A_85 = vector.shape_cast %add3A_80 : vector<16xf32> to vector<1x16xf32>
        tpu.vector_store %arg8[%swap3A_81, %swap3A_82], %swap3A_85 {strides = array<i32>} : memref<16x512xf32, #tpu.memory_space<vmem>>, vector<1x16xf32>,
      }
      %scan3A_52 = arith.constant 32 : i32
      %dma_start3A_53 = arith.constant 2 : i32
      %dma_start3A_54 = arith.constant 0 : i32
      %dma_start3A_55 = arith.constant 0 : i32
      %dma_start3A_56 = tpu.memref_slice %arg5[%dma_start3A_54, %dma_start3A_55] : memref<2x512xf32, #tpu.memory_space<hbm>> -> memref<1x512xf32, #tpu.memory_space<hbm>>
      %dma_start3A_57 = tpu.memref_slice %arg10[%dma_start3A_53] : memref<4x!tpu.dma_semaphore, #tpu.memory_space<semaphore_mem>> -> memref<1x!tpu.dma_semaphore, #tpu.memory_space<semaphore_mem>>
      %dma_start3A_58 = tpu.memref_squeeze %dma_start3A_57 : memref<1x!tpu.dma_semaphore, #tpu.memory_space<semaphore_mem>> -> memref<!tpu.dma_semaphore, #tpu.memory_space<semaphore_mem>>
      %dma_start3A_59 = arith.constant 0 : i32
      %dma_start3A_60 = arith.constant 0 : i32
      %dma_start3A_61 = tpu.memref_slice %arg5[%dma_start3A_59, %dma_start3A_60] : memref<2x512xf32, #tpu.memory_space<hbm>> -> memref<1x512xf32, #tpu.memory_space<hbm>>
      tpu.enqueue_dma source(%arg7 : memref<1x512xf32, #tpu.memory_space<vmem>>) target(%dma_start3A_61 : memref<1x512xf32, #tpu.memory_space<hbm>>) target_semaphore(%dma_start3A_58 : memref<!tpu.dma_semaphore, #tpu.memory_space<semaphore_mem>>)
      "tpu.region"() ({
        %run_scoped3A = tpu.sem_alloc : memref<!tpu.dma_semaphore, #tpu.memory_space<semaphore_mem>>
        %dma_start3A_71 = arith.constant 15 : i32
        %dma_start3A_72 = arith.constant 0 : i32
        %dma_start3A_73 = tpu.memref_slice %arg8[%dma_start3A_71, %dma_start3A_72] : memref<16x512xf32, #tpu.memory_space<vmem>> -> memref<1x512xf32, #tpu.memory_space<vmem>>
        %dma_start3A_74 = arith.constant 1 : i32
        %dma_start3A_75 = arith.constant 0 : i32
        %dma_start3A_76 = tpu.memref_slice %arg5[%dma_start3A_74, %dma_start3A_75] : memref<2x512xf32, #tpu.memory_space<hbm>> -> memref<1x512xf32, #tpu.memory_space<hbm>>
        %dma_start3A_77 = arith.constant 1 : i32
        %dma_start3A_78 = arith.constant 0 : i32
        %dma_start3A_79 = tpu.memref_slice %arg5[%dma_start3A_77, %dma_start3A_78] : memref<2x512xf32, #tpu.memory_space<hbm>> -> memref<1x512xf32, #tpu.memory_space<hbm>>
        %dma_start3A_80 = arith.constant 15 : i32
        %dma_start3A_81 = arith.constant 0 : i32
        %dma_start3A_82 = tpu.memref_slice %arg8[%dma_start3A_80, %dma_start3A_81] : memref<16x512xf32, #tpu.memory_space<vmem>> -> memref<1x512xf32, #tpu.memory_space<vmem>>
        tpu.enqueue_dma source(%dma_start3A_82 : memref<1x512xf32, #tpu.memory_space<vmem>>) target(%dma_start3A_79 : memref<1x512xf32, #tpu.memory_space<hbm>>) target_semaphore(%run_scoped3A : memref<!tpu.dma_semaphore, #tpu.memory_space<semaphore_mem>>)
        %dma_wait3A_83 = arith.constant 15 : i32
        %dma_wait3A_84 = arith.constant 0 : i32
        %dma_wait3A_85 = tpu.memref_slice %arg8[%dma_wait3A_83, %dma_wait3A_84] : memref<16x512xf32, #tpu.memory_space<vmem>> -> memref<1x512xf32, #tpu.memory_space<vmem>>
        %dma_wait3A_86 = arith.constant 1 : i32
        %dma_wait3A_87 = arith.constant 0 : i32
        %dma_wait3A_88 = tpu.memref_slice %arg5[%dma_wait3A_86, %dma_wait3A_87] : memref<2x512xf32, #tpu.memory_space<hbm>> -> memref<1x512xf32, #tpu.memory_space<hbm>>
        %dma_wait3A_89 = arith.constant 1 : i32
        %dma_wait3A_90 = arith.constant 0 : i32
        %dma_wait3A_91 = tpu.memref_slice %arg5[%dma_wait3A_89, %dma_wait3A_90] : memref<2x512xf32, #tpu.memory_space<hbm>> -> memref<1x512xf32, #tpu.memory_space<hbm>>
        %dma_wait3A_92 = arith.constant 15 : i32
        %dma_wait3A_93 = arith.constant 0 : i32
        %dma_wait3A_94 = tpu.memref_slice %arg8[%dma_wait3A_92, %dma_wait3A_93] : memref<16x512xf32, #tpu.memory_space<vmem>> -> memref<1x512xf32, #tpu.memory_space<vmem>>
        tpu.wait_dma2 semaphore(%run_scoped3A : memref<!tpu.dma_semaphore, #tpu.memory_space<semaphore_mem>>) src(%dma_wait3A_94 : memref<1x512xf32, #tpu.memory_space<vmem>>) dst(%dma_wait3A_91 : memref<1x512xf32, #tpu.memory_space<hbm>>)
        tpu.yield
      }) : () -> ()
      %dma_wait3A_62 = arith.constant 2 : i32
      %dma_wait3A_63 = arith.constant 0 : i32
      %dma_wait3A_64 = arith.constant 0 : i32
      %dma_wait3A_65 = tpu.memref_slice %arg5[%dma_wait3A_63, %dma_wait3A_64] : memref<2x512xf32, #tpu.memory_space<hbm>> -> memref<1x512xf32, #tpu.memory_space<hbm>>
      %dma_wait3A_66 = tpu.memref_slice %arg10[%dma_wait3A_62] : memref<4x!tpu.dma_semaphore, #tpu.memory_space<semaphore_mem>> -> memref<1x!tpu.dma_semaphore, #tpu.memory_space<semaphore_mem>>
      %dma_wait3A_67 = tpu.memref_squeeze %dma_wait3A_66 : memref<1x!tpu.dma_semaphore, #tpu.memory_space<semaphore_mem>> -> memref<!tpu.dma_semaphore, #tpu.memory_space<semaphore_mem>>
      %dma_wait3A_68 = arith.constant 0 : i32
      %dma_wait3A_69 = arith.constant 0 : i32
      %dma_wait3A_70 = tpu.memref_slice %arg5[%dma_wait3A_68, %dma_wait3A_69] : memref<2x512xf32, #tpu.memory_space<hbm>> -> memref<1x512xf32, #tpu.memory_space<hbm>>
      tpu.wait_dma2 semaphore(%dma_wait3A_67 : memref<!tpu.dma_semaphore, #tpu.memory_space<semaphore_mem>>) src(%arg7 : memref<1x512xf32, #tpu.memory_space<vmem>>) dst(%dma_wait3A_70 : memref<1x512xf32, #tpu.memory_space<hbm>>)
    } else {
    }
    return
  }
}

</mosaic_0001>

<sc_bundles>
// kernel: kernel.3.cloned.1.call-start
scs
__scs_entry_jumppad:
0x0: {  	(pc) =	sbr.rel $0x88, $3  }
0x1: {  	(tag) =	ssettag $0x0;
	lr =	simm.s32 $0x1  }
0x2: {  	[smem:$0x3F9F] =	sst lr;
	_ =	strace $0xD0000000  }
0x3: {  	_ = 	snop  }
0x4: {  	_ = 	snop  }
0x5: {  	_ = 	snop  }
0x6: {  	_ = 	snop  }
0x7: {  	_ = 	snop  }
__scs_overlays_trampoline_lowered:
0x8: {  	[smem:$0x3FAE] =	sst s0  }
0x9: {  	[smem:$0x3FAF] =	sst s1  }
0xa: {  	[smem:$0x3FB0] =	sst s2  }
0xb: {  	[smem:$0x3FB1] =	sst s3  }
0xc: {  	[smem:$0x3FB2] =	sst s4  }
0xd: {  	[smem:$0x3FB3] =	sst s5  }
0xe: {  	[smem:$0x3FB4] =	sst s6  }
0xf: {  	[smem:$0x3FB5] =	sst s7  }
0x10: {  	[smem:$0x3FB6] =	sst s8  }
0x11: {  	[smem:$0x3FB7] =	sst s9;
	s0 =	simm.s32 @!p0 $0x0  }
0x12: {  	s1 =	sld [smem:$0x3F9D];
	s0 =	simm.s32 @p0 $0x1  }
0x13: {  	[smem:$0x3FB8] =	sst s0;
	s0 =	simm.s32 @!p1 $0x0  }
0x14: {  	s2 =	sld [smem:$0x3F9C];
	s0 =	simm.s32 @p1 $0x1  }
0x15: {  	[smem:$0x3FB9] =	sst s0;
	s0 =	simm.s32 @!p2 $0x0  }
0x16: {  	s3 =	sld [smem:$0x3FDB];
	s0 =	simm.s32 @p2 $0x1  }
0x17: {  	s4 =	simm.s32 $0x1BF5;
	[smem:$0x3FBB] =	sst s0  }
0x18: {  	s0 =	sld [smem:$0x3F9E];
	_ =	swait.ge [sflag:s4], $0x0  }
0x19: {  	s7 =	sld [smem:$0x3F9F]  }
0x1a: {  	s8 =	sadd.s32 $0xFFFFE003, lr  }
0x1b: {  	s9 =	sadd.s32 $0xFFFFFEF7, lr;
	s5 =	simm.s32 $0xFFFFFFFF;
	p2 =	slt.u32 s8, $0xFFFFF086  }
0x1c: {  	p1 =	slt.u32 s9, $0xF7A;
	s5 =	simm.s32 @!p2 $0x0  }
0x1d: {  	s5 =	simm.s32 @p1 $0x1;
	p0 =	seq.s32 s7, s2  }
0x1e: {  	s7 =	smul.u32 @!p0 $0xF7A, s2;
	p2 =	seq.s32 @!p0 s5, $0x0  }
0x1f: {  	s9 =	smul.u32 $0xF7A, s1;
	s8 =	simm.s32 @!p0 $0x1BF5;
	p2 =	por !p2, p0  }
0x20: {  	[sflag:s8] =	ssyncset.s32 @!p0 $0xFFFFF086;
	s6 =	sadd.s32 @!p0 s3, s7;
	s7 =	simm.s32 @!p0 $0x108  }
0x21: {  	s3 =	sadd.s32 s3, s9;
	s6 =	sadd.s32 @!p0 $0x88, s6;
	s7 =	simm.s32 @p2 $0x1082  }
0x22: {  	[simem:s7], [sflag:s8] =	dma.local @!p0 [hbm:s6], $0xF7A  }
0x23: {  	s9 =	sor.u32 $0xD0000000, s2;
	s6 =	simm.s32 $0x108;
	_ =	swait.ge @!p0 [sflag:s8], $0x0  }
0x24: {  	s3 =	sadd.s32 $0x88, s3;
	s6 =	simm.s32 @!p1 $0x1082;
	[sflag:s4] =	ssyncset.s32 $0xFFFFF086  }
0x25: {  	[simem:s6], [sflag:s4] =	dma.local [hbm:s3], $0xF7A  }
0x26: {  	[smem:$0x3F9F] =	sst s1;
	(tag) =	ssettag s2;
	_ =	strace s9  }
0x27: {  	s1 =	sld [smem:$0x3FAF]  }
0x28: {  	s2 =	sld [smem:$0x3FB0]  }
0x29: {  	s4 =	sld [smem:$0x3FB2]  }
0x2a: {  	p0 =	seq.s32 s5, $0x0;
	s5 =	sld [smem:$0x3FB3]  }
0x2b: {  	s6 =	sld [smem:$0x3FB4]  }
0x2c: {  	s7 =	sld [smem:$0x3FB5]  }
0x2d: {  	s3 =	simm.s32 $0x108;
	s8 =	sld [smem:$0x3FB6]  }
0x2e: {  	s3 =	simm.s32 @!p0 $0x1082;
	s9 =	sld [smem:$0x3FB7]  }
0x2f: {  	lr =	sadd.s32 s0, s3;
	s0 =	sld [smem:$0x3FAE]  }
0x30: {  	s3 =	sld [smem:$0x3FB1]  }
0x31: {  	[smem:$0x3FBA] =	sst s10  }
0x32: {  	s10 =	sld [smem:$0x3FB8];
	_ =	sdelay $0x3  }
0x33: {  	p0 =	seq.s32 s10, $0x1;
	s10 =	sld [smem:$0x3FBA];
	_ =	sdelay $0x3  }
0x34: {  	[smem:$0x3FBA] =	sst s10  }
0x35: {  	s10 =	sld [smem:$0x3FB9];
	_ =	sdelay $0x3  }
0x36: {  	p1 =	seq.s32 s10, $0x1;
	s10 =	sld [smem:$0x3FBA];
	_ =	sdelay $0x3  }
0x37: {  	[smem:$0x3FBA] =	sst s10  }
0x38: {  	s10 =	sld [smem:$0x3FBB]  }
0x39: {  	_ = 	snop;
	(pc) =	sbr.ind lr, $3  }
0x3a: {  	_ = 	snop  }
0x3b: {  	_ = 	snop  }
0x3c: {  	p2 =	seq.s32 s10, $0x1;
	s10 =	sld [smem:$0x3FBA]  }
0x3d: {  	_ =	shalt  }
0x3e: {  	_ =	shalt  }
0x3f: {  	_ =	shalt  }
0x40: {  	_ =	shalt  }
0x41: {  	_ =	shalt  }
0x42: {  	_ =	shalt  }
0x43: {  	_ =	shalt  }
0x44: {  	_ =	shalt  }
0x45: {  	_ =	shalt  }
0x46: {  	_ =	shalt  }
0x47: {  	_ =	shalt  }
0x48: {  	_ =	shalt  }
0x49: {  	_ =	shalt  }
0x4a: {  	_ =	shalt  }
0x4b: {  	_ =	shalt  }
0x4c: {  	_ =	shalt  }
0x4d: {  	_ =	shalt  }
0x4e: {  	_ =	shalt  }
0x4f: {  	_ =	shalt  }
0x50: {  	_ =	shalt  }
0x51: {  	_ =	shalt  }
0x52: {  	_ =	shalt  }
0x53: {  	_ =	shalt  }
0x54: {  	_ =	shalt  }
0x55: {  	_ =	shalt  }
0x56: {  	_ =	shalt  }
0x57: {  	_ =	shalt  }
0x58: {  	_ =	shalt  }
0x59: {  	_ =	shalt  }
0x5a: {  	_ =	shalt  }
0x5b: {  	_ =	shalt  }
0x5c: {  	_ =	shalt  }
0x5d: {  	_ =	shalt  }
0x5e: {  	_ =	shalt  }
0x5f: {  	_ =	shalt  }
0x60: {  	_ =	shalt  }
0x61: {  	_ =	shalt  }
0x62: {  	_ =	shalt  }
0x63: {  	_ =	shalt  }
0x64: {  	_ =	shalt  }
0x65: {  	_ =	shalt  }
0x66: {  	_ =	shalt  }
0x67: {  	_ =	shalt  }
0x68: {  	_ =	shalt  }
0x69: {  	_ =	shalt  }
0x6a: {  	_ =	shalt  }
0x6b: {  	_ =	shalt  }
0x6c: {  	_ =	shalt  }
0x6d: {  	_ =	shalt  }
0x6e: {  	_ =	shalt  }
0x6f: {  	_ =	shalt  }
0x70: {  	_ =	shalt  }
0x71: {  	_ =	shalt  }
0x72: {  	_ =	shalt  }
0x73: {  	_ =	shalt  }
0x74: {  	_ =	shalt  }
0x75: {  	_ =	shalt  }
0x76: {  	_ =	shalt  }
0x77: {  	_ =	shalt  }
0x78: {  	_ =	shalt  }
0x79: {  	_ =	shalt  }
0x7a: {  	_ =	shalt  }
0x7b: {  	_ =	shalt  }
0x7c: {  	_ =	shalt  }
0x7d: {  	_ =	shalt  }
0x7e: {  	_ =	shalt  }
0x7f: {  	_ =	shalt  }
0x80: {  	_ =	shalt  }
0x81: {  	_ =	shalt  }
0x82: {  	_ =	shalt  }
0x83: {  	_ =	shalt  }
0x84: {  	_ =	shalt  }
0x85: {  	_ =	shalt  }
0x86: {  	_ =	shalt  }
0x87: {  	_ =	shalt  }
.Lfunc_end0:
.L_simem_size_0:
called_computation_lowered:
.L_overlay_start_0:
0x88: {  	s0 =	sld [smem:$0x3FD9]  }
0x89: {  	s1 =	sld [smem:$0x3FFE];
	_ =	sdelay $0x3  }
0x8a: {  	s0 =	sadd.s32 s1, s0  }
0x8b: {  	[smem:$0x3FC6] =	sst s0  }
0x8c: {  	_ = 	snop  }
0x8d: {  	s0 =	sld [smem:$0x3FC8]  }
0x8e: {  	s16 =	sld [smem:$0x3FD0];
	(tm) =	ssettm $0x1  }
0x8f: {  	s2 =	sld [smem:$0x3FFB];
	_ =	sdelay $0x3  }
0x90: {  	_ =	strace s2  }
0x91: {  	s2 =	sld [smem:$0x3FFC];
	_ =	sdelay $0x3  }
0x92: {  	_ =	strace s2  }
0x93: {  	s2 =	sld [smem:$0x3FFD];
	_ =	sdelay $0x3  }
0x94: {  	_ =	strace s2  }
0x95: {  	_ =	strace $0x8FFFFFFF  }
0x96: {  	s17 =	sld [smem:$0x3FDB];
	_ =	sdelay $0x1  }
0x97: {  	s3 =	simm.s32 $_scs_section_size  }
0x98: {  	s4 =	simm.s32 $_size__tile_overlayer_lowered;
	s5 =	simm.s32 $_tile_overlayer_lowered  }
0x99: {  	s20 =	simm.s32 $0x1BFF;
	s19 =	sshll.u32 s5, $0x1;
	s2 =	sadd.s32 s3, s17  }
0x9a: {  	s6 =	simm.s32 $0x0;
	s18 =	sshll.u32 s4, $0x1;
	s4 =	sadd.s32 s19, s2  }
0x9b: {  	[timem:s6], [sflag:s20] =	dma.local [hbm:s4], s18  }
0x9c: {  	_ =	swait.ge [sflag:s20], s18  }
0x9d: {  	s3 =	ssub.s32 $0x0, s18;
	[sflag:s20] =	ssyncset.done $0x0  }
0x9e: {  	[sflag:s20] =	ssyncadd.s32 s3;
	_ =	sdelay $0x1  }
0x9f: {  	s21 =	simm.s32 $0x1B8B  }
0xa0: {  	_ =	swait.ge [sflag:s21], $0x1  }
0xa1: {  	[sflag:s21] =	ssyncset.done $0x0  }
0xa2: {  	s23 =	simm.s32 $0x1B8E;
	s22 =	sld [smem:$0x3FFE];
	[sflag:s21] =	ssyncadd.s32 $0xFFFFFFFF  }
0xa3: {  	s24 =	simm.s32 $execute0_lowered;
	[smem:$0x3FD2] =	sst s23  }
0xa4: {  	s4 =	sshll.u32 s24, $0x1;
	_ =	strace $0x80000046;
	[dreg:$0x1] =	wrdreg $0xFFFFFFFF  }
0xa5: {  	s25 =	simm.s32 $_size_execute0_lowered;
	s2 =	sadd.s32 s2, s4;
	[dreg:$0x0] =	wrdreg $0x0  }
0xa6: {  	s4 =	sshll.u32 s25, $0x1;
	[dreg:$0x2] =	wrdreg s2  }
0xa7: {  	[dreg:$0x3] =	wrdreg s4  }
0xa8: {  	[dreg:$0x4] =	wrdreg $0xC0  }
0xa9: {  	_ =	task [dreg:s6], $0x5FFFF  }
0xaa: {  	[dreg:$0x1] =	wrdreg $0xFFFFFFFF  }
0xab: {  	[dreg:$0x0] =	wrdreg $0x60  }
0xac: {  	[dreg:$0x2] =	wrdreg s22  }
0xad: {  	[dreg:$0x3] =	wrdreg s0  }
0xae: {  	[dreg:$0x4] =	wrdreg s16  }
0xaf: {  	[dreg:$0x5] =	wrdreg $0x9  }
0xb0: {  	_ =	task.clear_ibuf [dreg:s6], $0x6FFFF;
	_ =	strace $0x90000046  }
0xb1: {  	s26 =	simm.s32 $0x9;
	_ =	strace $0x80000048  }
0xb2: {  	_ =	swait.ge [sflag:s26], $0x1  }
0xb3: {  	[sflag:s26] =	ssyncadd.s32 $0xFFFFFFFF  }
0xb4: {  	_ =	strace $0x90000048  }
0xb5: {  	_ =	sfence  }
0xb6: {  	s28 =	sld [smem:$0x0];
	_ =	sdelay $0x1  }
0xb7: {  	s29 =	srdreg.scid  }
0xb8: {  	s30 =	sshll.u32 s29, $0xD;
	s31 =	sshrl.u32 s29, $0x2  }
0xb9: {  	s1 =	sand.u32 $0x1, s29;
	s2 =	sand.u32 $0x4000, s30;
	s0 =	sadd.s32 s31, s28  }
0xba: {  	s1 =	sor.u32 s2, s1;
	s0 =	sshll.u32 s0, $0x11  }
0xbb: {  	s0 =	sor.u32 s0, s1  }
0xbc: {  	s0 =	sadd.s32 $0x8F2B, s0  }
0xbd: {  	[sflag:s0] =	ssyncadd.remote.s32 $0x1  }
0xbe: {  	_ =	sfence.sel $0xFFFF  }
0xbf: {  	[dreg:$0x0] =	wrdreg $0xFFFFFFFF;
	(pc) =	sbr.abs _section_cstart, $3  }
0xc0: {  	[dreg:$0x1] =	wrdreg $0xFFFFFFFF  }
0xc1: {  	_ =	task.clear_ibuf [dreg:s6], $0x2FFFF;
	_ =	strace $0x9FFFFFFF  }
0xc2: {  	(tm) =	ssettm $0x7FFFFFFF  }
0xc3: {  	_ =	shalt  }
tec
execute0_lowered:
.L_overlay_start_1:
0x0: {  	(tag) =	ssettag $0x1  }
0x1: {  	s5 =	stileid.u32  }
0x2: {  	p0 =	sne.s32 s5, $0x0  }
.Ltmp0:
0x3: {  	s4 =	rddreg [dreg:$0x0];
	(pc) =	sbr.rel @p0 .LBB2_6-.Ltmp0, $4  }
0x4: {  	s2 =	rddreg [dreg:$0x1]  }
0x5: {  	s1 =	rddreg [dreg:$0x2];
	s3 =	simm.s32 $0x0  }
0x6: {  	[smem:$0x7FF] =	sst s3  }
0x7: {  	s0 =	rddreg [dreg:$0x3];
	_ =	strace $0x80000047  }
0x8: {  	s5 =	sadd.s32 $0x400, s4  }
0x9: {  	[tilespmem:s3], [sflag:$0x1] =	stream.linear.gather [hbm4b:s5+s3], $0x80, $0x38;
	[tilespmem:$0x2480] =	vst v63  }
0xa: {  	s19 =	sadd.s32 $0x600, s4;
	s20 =	simm.s32 $0x2280;
	s21 =	sadd.s32 $0x10, s2  }
0xb: {  	[tilespmem:s20], [sflag:$0x2] =	stream.linear.gather [hbm4b:s19+s3], $0x200, $0x38;
	[tilespmem:$0x2480] =	vst v63  }
0xc: {  	s22 =	simm.s32 $0x400;
	s6 =	simm.s32 $0x80;
	s23 =	simm.s32 $0x1  }
0xd: {  	[tilespmem:s6], [sflag:$0x3] =	stream.strided.gather [hbm4b:s21+s6], $0x200, s22, s6, $0x38;
	[tilespmem:$0x2480] =	vst v63  }
0xe: {  	_ =	swait.ge [sflag:s23], $0x80  }
0xf: {  	[sflag:s23] =	ssyncset.done $0x0  }
0x10: {  	[sflag:s23] =	ssyncadd.s32 $0xFFFFFF80  }
0x11: {  	v0 =	vld [tilespmem:$0x0];
	_ =	sdelay $0x4  }
0x12: {  	v1 =	vshll.u32 v0, $0x2  }
0x13: {  	v2 =	vlaneseq.u32;
	v0 =	vand.u32 $0x7, v0;
	v1 =	vand.u32 $0xFFFFFFE0, v1  }
0x14: {  	v3 =	vshrl.u32 v2, $0x3;
	v0 =	vor.u32 v0, v1;
	v1 =	vand.u32 $0x7, v2  }
0x15: {  	v3 =	vmul.u32 $0x8, v3;
	v1 =	vperm.xlane v0, v1;
	_ =	sdelay $0x1  }
0x16: {  	v1 =	vadd.s32 v3, v1  }
0x17: {  	v2 =	vor.u32 $0x8, v2  }
0x18: {  	v0 =	vperm.xlane v0, v2;
	_ =	sdelay $0x1  }
0x19: {  	vm0 =	vmmov $0xffff;
	s24 =	simm.s32 $0x280;
	v0 =	vadd.s32 v3, v0  }
0x1a: {  	[tilespmem:s24], [sflag:$0x4] =	stream.indirect_vreg.gather [hbm4b:s2+s3], $0x80, v1, vm0, $0xb8;
	[tilespmem:$0x2480] =	vst v63  }
0x1b: {  	s25 =	sadd.s32 $0x100, s2;
	s26 =	simm.s32 $0xA80  }
0x1c: {  	[tilespmem:s26], [sflag:$0x4] =	stream.indirect_vreg.gather [hbm4b:s25+s3], $0x80, v1, vm0, $0xb8;
	[tilespmem:$0x2480] =	vst v63  }
0x1d: {  	s28 =	simm.s32 $0x1280  }
0x1e: {  	[tilespmem:s28], [sflag:$0x4] =	stream.indirect_vreg.gather [hbm4b:s2+s3], $0x80, v0, vm0, $0xb8;
	[tilespmem:$0x2480] =	vst v63  }
0x1f: {  	s29 =	simm.s32 $0x1A80;
	s30 =	simm.s32 $0x2  }
0x20: {  	[tilespmem:s29], [sflag:$0x4] =	stream.indirect_vreg.gather [hbm4b:s25+s3], $0x80, v0, vm0, $0xb8;
	[tilespmem:$0x2480] =	vst v63  }
0x21: {  	_ =	swait.ge [sflag:s30], $0x200  }
0x22: {  	[sflag:s30] =	ssyncset.done $0x0  }
0x23: {  	s31 =	simm.s32 $0x3;
	[sflag:s30] =	ssyncadd.s32 $0xFFFFFE00  }
0x24: {  	_ =	swait.ge [sflag:s31], $0x200  }
0x25: {  	[sflag:s31] =	ssyncset.done $0x0  }
0x26: {  	s3 =	simm.s32 $0x0;
	[sflag:s31] =	ssyncadd.s32 $0xFFFFFE00  }
0x27: {  	s4 =	simm.s32 $0x40;
	s2 =	sadd.s32 $0x10, s1;
	v0 =	vld [tilespmem:s3+$0x2280]  }
.LBB2_2:
0x28: {  	p1 =	sne.s32 s4, $0x7C0;
	v1 =	vld [tilespmem:s3+$0x80];
	_ =	sdelay $0x2  }
.Ltmp1:
0x29: {  	(pc) =	sbr.rel @p1 .LBB2_2-.Ltmp1, $4  }
0x2a: {  	_ = 	snop  }
0x2b: {  	v1 =	vadd.f32 v0, v1  }
0x2c: {  	s5 =	sshra.s32 s4, $0x2  }
0x2d: {  	s4 =	sadd.s32 $0x40, s4;
	v0 =	vld [tilespmem:s5+$0x2280];
	[tilespmem:s3+$0x80] =	vst v1;
	s3 =	smov.u32 s5  }
0x2e: {  	v1 =	vld [tilespmem:s3+$0x80];
	_ =	sdelay $0x4  }
0x2f: {  	v0 =	vadd.f32 v0, v1;
	_ =	sdelay $0x1  }
0x30: {  	s30 =	simm.s32 $0x4;
	[tilespmem:s3+$0x80] =	vst v0  }
0x31: {  	s4 =	simm.s32 $0x0;
	_ =	swait.ge [sflag:s30], $0x2000  }
0x32: {  	s5 =	simm.s32 $0x2280;
	s31 =	sand.u32 $0x3000, s4;
	[sflag:s30] =	ssyncset.done $0x0  }
0x33: {  	s4 =	sand.u32 $0x70, s4;
	s3 =	sshrl.u32 s31, $0x2;
	[sflag:s30] =	ssyncadd.s32 $0xFFFFE000  }
0x34: {  	s3 =	sor.u32 s4, s3;
	v0 =	vld [tilespmem:s5+$0x0]  }
0x35: {  	v1 =	vld [tilespmem:s3+$0x1600];
	_ =	sdelay $0x4  }
0x36: {  	s7 =	simm.s32 $0x10;
	s5 =	simm.s32 $0x200;
	v0 =	vadd.f32 v0, v1  }
0x37: {  	s6 =	simm.s32 $0x20;
	s4 =	simm.s32 $0x2290;
	s8 =	sand.u32 $0x3000, s5  }
.LBB2_4:
0x38: {  	p1 =	sne.s32 s6, $0x1F0;
	s7 =	sand.u32 $0x70, s7;
	s8 =	sshrl.u32 s8, $0x2;
	[tilespmem:s3+$0x1600] =	vst v0  }
0x39: {  	s3 =	sor.u32 s7, s8;
	v0 =	vld [tilespmem:s4+$0x0];
	s7 =	smov.u32 s6  }
0x3a: {  	v1 =	vld [tilespmem:s3+$0x1600];
	_ =	sdelay $0x1  }
.Ltmp2:
0x3b: {  	(pc) =	sbr.rel @p1 .LBB2_4-.Ltmp2, $3  }
0x3c: {  	_ =	sdelay $0x1  }
0x3d: {  	s5 =	sadd.s32 $0x200, s5;
	v0 =	vadd.f32 v0, v1  }
0x3e: {  	s8 =	sand.u32 $0x3000, s5;
	s6 =	sadd.s32 $0x10, s6;
	s4 =	sadd.s32 $0x10, s4  }
0x3f: {  	s5 =	sand.u32 $0x70, s7;
	s6 =	sshrl.u32 s8, $0x2;
	[tilespmem:s3+$0x1600] =	vst v0  }
0x40: {  	s18 =	sor.u32 s5, s6;
	v0 =	vld [tilespmem:s4+$0x0]  }
0x41: {  	v1 =	vld [tilespmem:s18+$0x1600];
	_ =	sdelay $0x4  }
0x42: {  	v0 =	vadd.f32 v0, v1;
	_ =	sdelay $0x1  }
0x43: {  	s19 =	simm.s32 $0x100;
	s20 =	simm.s32 $0x80;
	[tilespmem:s18+$0x1600] =	vst v0  }
0x44: {  	[hbm4b:s1+s20] =	stream.strided.scatter [tilespmem:s20], [sflag:$0x3], $0x200, s19, s20, $0x38;
	[tilespmem:$0x2480] =	vst v63  }
0x45: {  	s21 =	simm.s32 $0x0;
	s22 =	simm.s32 $0x1600  }
0x46: {  	[hbm4b:s2+s21] =	stream.linear.scatter [tilespmem:s22], [sflag:$0x5], $0x80, $0x38;
	[tilespmem:$0x2480] =	vst v63  }
0x47: {  	s23 =	sadd.s32 $0x20, s2;
	s24 =	simm.s32 $0x1A00  }
0x48: {  	[hbm4b:s23+s21] =	stream.linear.scatter [tilespmem:s24], [sflag:$0x5], $0x80, $0x38;
	[tilespmem:$0x2480] =	vst v63  }
0x49: {  	s25 =	sadd.s32 $0x40, s2;
	s26 =	simm.s32 $0x1E00  }
0x4a: {  	[hbm4b:s25+s21] =	stream.linear.scatter [tilespmem:s26], [sflag:$0x5], $0x80, $0x38;
	[tilespmem:$0x2480] =	vst v63  }
0x4b: {  	s28 =	sadd.s32 $0x60, s2;
	s29 =	simm.s32 $0x2200;
	s30 =	simm.s32 $0x5  }
0x4c: {  	[hbm4b:s28+s21] =	stream.linear.scatter [tilespmem:s29], [sflag:$0x5], $0x80, $0x38;
	[tilespmem:$0x2480] =	vst v63  }
0x4d: {  	_ =	swait.ge [sflag:s30], $0x200  }
0x4e: {  	[sflag:s30] =	ssyncset.done $0x0  }
0x4f: {  	s31 =	simm.s32 $0x3;
	[sflag:s30] =	ssyncadd.s32 $0xFFFFFE00  }
0x50: {  	_ =	swait.ge [sflag:s31], $0x200  }
0x51: {  	[sflag:s31] =	ssyncset.done $0x0  }
0x52: {  	[sflag:s31] =	ssyncadd.s32 $0xFFFFFE00  }
.LBB2_6:
0x53: {  	_ =	sfence.sel $0x180000  }
0x54: {  	[bflag:$0x0] =	sbarrier.arrive $0xFFFF  }
0x55: {  	_ =	strace $0x90000047  }
0x56: {  	s0 =	sadd.s32 @!p0 $0x100000, s0;
	[bflag:$0x2] =	sbarrier.arrive $0xFFFF  }
0x57: {  	[sflag:s0] =	ssyncadd.tile.s32 @!p0 $0x1;
	_ =	shalt  }
.Lfunc_end2:
_tile_overlayer_lowered:
.L_overlay_start_2:
0x58: {  	(tag) =	ssettag $0x2  }
0x59: {  	s0 =	rddreg [dreg:$0x0];
	s2 =	stileid.u32  }
0x5a: {  	s1 =	rddreg [dreg:$0x1];
	p0 =	sne.s32 s2, $0x0  }
0x5b: {  	s3 =	rddreg [dreg:$0x2];
	[bflag:$0x3] =	sbarrier.arrive $0xFFFF;
	s2 =	simm.s32 @!p0 $0x1C05  }
0x5c: {  	[timem:s3], [sflag:s2] =	dma.local @!p0 [hbm:s0], s1  }
0x5d: {  	s0 =	simm.s32 @!p0 $0x5  }
0x5e: {  	_ =	swait.ge @!p0 [sflag:s0], s1  }
0x5f: {  	s1 =	ssub.s32 @!p0 $0x0, s1;
	[sflag:s0] =	ssyncset.done @!p0 $0x0  }
0x60: {  	[sflag:s0] =	ssyncadd.s32 @!p0 s1  }
0x61: {  	[bflag:$0x3] =	sbarrier.arrive $0xFFFF  }
0x62: {  	_ =	shalt  }

</sc_bundles>
